<compile_context>
chip_gen: v7x
topology: tpu7x:2x2x1
jax: 0.10.2.dev20260603
libtpu: 0.0.44.dev20260713+nightly
codegen_flags: <defaults>
</compile_context>

<pallas_src>
import functools

import jax
import jax.numpy as jnp
from jax import lax
from jax.experimental import pallas as pl
from jax.experimental.pallas import tpu as pltpu
from jax.experimental.pallas import tpu_sc as plsc

B = 16384
D = 10
L = 16
NS = 16
BPW = B // NS
CHUNKS = BPW // L

C1 = 50.0

_DNUMS = lax.GatherDimensionNumbers(
    offset_dims=(), collapsed_slice_dims=(0,), start_index_map=(0,))


def _vgather(table, idx):
    return lax.gather(table, idx.reshape(L, 1), _DNUMS, (1,),
                      mode=lax.GatherScatterMode.PROMISE_IN_BOUNDS)


def _sc_body(tp_hbm, idx_hbm, out_hbm, tp_v, idx_v, out_v, sem, sem_idx):
    wid = lax.axis_index("s")
    base = wid * BPW
    cpi = pltpu.async_copy(idx_hbm.at[pl.ds(base, BPW)], idx_v, sem_idx)
    cpt = pltpu.async_copy(tp_hbm, tp_v.at[pl.ds(0, 1)], sem)
    cpt.wait()

    zero = jnp.zeros((L,), jnp.int32)
    tp = _vgather(tp_v[...], zero)
    c2 = lax.iota(jnp.int32, L).astype(jnp.float32) * (1.0 / D)
    x = C1 * (tp - c2)
    table = 1.0 / (1.0 + jnp.exp(-x))

    cpi.wait()

    @plsc.parallel_loop(0, CHUNKS, step=1, unroll=4)
    def body(i):
        out_v[pl.ds(i * L, L)] = _vgather(table, idx_v[pl.ds(i * L, L)])
    pltpu.sync_copy(out_v, out_hbm.at[pl.ds(base, BPW)])


@functools.partial(
    pl.kernel,
    out_type=jax.ShapeDtypeStruct((B,), jnp.float32),
    mesh=plsc.VectorSubcoreMesh(core_axis_name="c", subcore_axis_name="s",
                                num_cores=1),
    scratch_types=[
        pltpu.VMEM((L,), jnp.float32),
        pltpu.VMEM((BPW,), jnp.int32),
        pltpu.VMEM((BPW,), jnp.float32),
        pltpu.SemaphoreType.DMA,
        pltpu.SemaphoreType.DMA,
    ],
)
def _run(tp_hbm, idx_hbm, out_hbm, tp_v, idx_v, out_v, sem, sem_idx):
    _sc_body(tp_hbm, idx_hbm, out_hbm, tp_v, idx_v, out_v, sem, sem_idx)


def kernel(loss, training_progress, diff_class, c1, c2):
    del loss, c1, c2
    return _run(training_progress, diff_class)

# --- scband reference (transcript-rebuilt; emitter-appended) ---
"""Pipeline reference for scband-glfcurriculum-3556232921218 (READ-ONLY COPY).

The authoritative reference and input builder live on the scoring server;
editing this copy changes nothing except your own understanding.
"""

import jax, jax.numpy as jnp
import numpy as np

B = 16384
D = 10  # diff_classes

def setup_inputs(seed: int = 0) -> dict:
    key = jax.random.key(seed)
    k1, k2, k3 = jax.random.split(key, 3)
    loss = jax.random.uniform(k1, (B,), dtype=jnp.float32)
    training_progress = jax.random.uniform(k2, (1,), dtype=jnp.float32)
    diff_class = jax.random.randint(k3, (B,), 0, D)
    # buffers per __init__ default branch: cfg = {i: {'c1': 50, 'c2': i/diff_classes}}
    c1 = jnp.full((D,), 50.0, dtype=jnp.float32)
    c2 = jnp.arange(D, dtype=jnp.float32) / float(D)
    return {"loss": loss, "training_progress": training_progress, "diff_class": diff_class, "c1": c1, "c2": c2}

def reference(loss, training_progress, diff_class, c1, c2):
    # avgloss=False path: conf = sigmoid(c1[diff_class] * (training_progress - c2[diff_class]))
    c1g = jnp.take(c1, diff_class, axis=0)
    c2g = jnp.take(c2, diff_class, axis=0)
    x = c1g * (training_progress - c2g)
    conf = jax.nn.sigmoid(x)
    return conf

if __name__ == "__main__":
    import jax
    _d = setup_inputs()
    print(jax.jit(kernel)(*tuple(_d.values())))

</pallas_src>

<mosaic_0001>
#map = affine_map<(d0, d1) -> (0)>
module attributes {stable_mosaic.version = 14 : i64} {
  func.func @_run(%arg0: i32, %arg1: i32, %arg2: memref<1xf32, #tpu.memory_space<hbm>>, %arg3: memref<16384xi32, #tpu.memory_space<hbm>>, %arg4: memref<16384xf32, #tpu.memory_space<hbm>>, %arg5: memref<16xf32, #tpu.memory_space<vmem>>, %arg6: memref<1024xi32, #tpu.memory_space<vmem>>, %arg7: memref<1024xf32, #tpu.memory_space<vmem>>, %arg8: memref<!tpu.dma_semaphore, #tpu.memory_space<semaphore_mem>>, %arg9: memref<!tpu.dma_semaphore, #tpu.memory_space<semaphore_mem>>) attributes {dimension_semantics = [#tpu.dimension_semantics<core_parallel>, #tpu.dimension_semantics<subcore_parallel>], iteration_bounds = array<i64: 1, 16>, scalar_prefetch = 0 : i64, scratch_operands = 5 : i64, tpu.core_type = #tpu.core_type<sc_vector_subcore>, window_params = [{transform_indices = #map}, {transform_indices = #map}, {transform_indices = #map}]} {
    %mul3A = arith.constant 1024 : i32
    %mul3A_0 = arith.muli %arg1, %mul3A : i32
    %dma_start3A = tpu.memref_slice %arg3[%mul3A_0] : memref<16384xi32, #tpu.memory_space<hbm>> -> memref<1024xi32, #tpu.memory_space<hbm>>
    %dma_start3A_1 = tpu.memref_slice %arg3[%mul3A_0] : memref<16384xi32, #tpu.memory_space<hbm>> -> memref<1024xi32, #tpu.memory_space<hbm>>
    tpu.enqueue_dma source(%dma_start3A_1 : memref<1024xi32, #tpu.memory_space<hbm>>) target(%arg6 : memref<1024xi32, #tpu.memory_space<vmem>>) target_semaphore(%arg9 : memref<!tpu.dma_semaphore, #tpu.memory_space<semaphore_mem>>)
    %dma_start3A_2 = arith.constant 0 : i32
    %dma_start3A_3 = tpu.memref_slice %arg5[%dma_start3A_2] : memref<16xf32, #tpu.memory_space<vmem>> -> memref<1xf32, #tpu.memory_space<vmem>>
    %dma_start3A_4 = arith.constant 0 : i32
    %dma_start3A_5 = tpu.memref_slice %arg5[%dma_start3A_4] : memref<16xf32, #tpu.memory_space<vmem>> -> memref<1xf32, #tpu.memory_space<vmem>>
    tpu.enqueue_dma source(%arg2 : memref<1xf32, #tpu.memory_space<hbm>>) target(%dma_start3A_5 : memref<1xf32, #tpu.memory_space<vmem>>) target_semaphore(%arg8 : memref<!tpu.dma_semaphore, #tpu.memory_space<semaphore_mem>>)
    %dma_wait3A = arith.constant 0 : i32
    %dma_wait3A_6 = tpu.memref_slice %arg5[%dma_wait3A] : memref<16xf32, #tpu.memory_space<vmem>> -> memref<1xf32, #tpu.memory_space<vmem>>
    %dma_wait3A_7 = arith.constant 0 : i32
    %dma_wait3A_8 = tpu.memref_slice %arg5[%dma_wait3A_7] : memref<16xf32, #tpu.memory_space<vmem>> -> memref<1xf32, #tpu.memory_space<vmem>>
    tpu.wait_dma2 semaphore(%arg8 : memref<!tpu.dma_semaphore, #tpu.memory_space<semaphore_mem>>) src(%arg2 : memref<1xf32, #tpu.memory_space<hbm>>) dst(%dma_wait3A_8 : memref<1xf32, #tpu.memory_space<vmem>>)
    %broadcast_in_dim3A = arith.constant 0 : i32
    %broadcast_in_dim3A_9 = vector.broadcast %broadcast_in_dim3A : i32 to vector<16xi32>
    %get3A = arith.constant 0 : index
    %get3A_10 = tpu.vector_load %arg5[%get3A] {strides = array<i32>} : memref<16xf32, #tpu.memory_space<vmem>>, vector<16xf32>,
    %get3A_11 = vector.shape_cast %get3A_10 : vector<16xf32> to vector<16xf32>
    %reshape3A = vector.shape_cast %broadcast_in_dim3A_9 : vector<16xi32> to vector<16x1xi32>
    %gather3A = vector.shape_cast %reshape3A : vector<16x1xi32> to vector<16xi32>
    %gather3A_12 = tpu.dynamic_gather %get3A_11[%gather3A] in [0] : vector<16xf32>, vector<16xi32> -> vector<16xf32>
    %iota3A = tpu.iota {dimensions = array<i32: 0>} : vector<16xi32>
    %convert_element_type3A = arith.sitofp %iota3A : vector<16xi32> to vector<16xf32>
    %mul3A_13 = arith.constant 1.000000e-01 : f32
    %mul3A_14 = vector.broadcast %mul3A_13 : f32 to vector<16xf32>
    %mul3A_15 = arith.mulf %convert_element_type3A, %mul3A_14 : vector<16xf32>
    %sub3A = arith.subf %gather3A_12, %mul3A_15 : vector<16xf32>
    %mul3A_16 = arith.constant 5.000000e+01 : f32
    %mul3A_17 = vector.broadcast %mul3A_16 : f32 to vector<16xf32>
    %mul3A_18 = arith.mulf %mul3A_17, %sub3A : vector<16xf32>
    %neg3A = arith.constant 0.000000e+00 : f32
    %neg3A_19 = vector.broadcast %neg3A : f32 to vector<16xf32>
    %neg3A_20 = arith.subf %neg3A_19, %mul3A_18 : vector<16xf32>
    %exp3A = math.exp %neg3A_20 : vector<16xf32>
    %add3A = arith.constant 1.000000e+00 : f32
    %add3A_21 = vector.broadcast %add3A : f32 to vector<16xf32>
    %add3A_22 = arith.addf %add3A_21, %exp3A : vector<16xf32>
    %div3A = arith.constant 1.000000e+00 : f32
    %div3A_23 = vector.broadcast %div3A : f32 to vector<16xf32>
    %div3A_24 = arith.divf %div3A_23, %add3A_22 : vector<16xf32>
    %dma_wait3A_25 = tpu.memref_slice %arg3[%mul3A_0] : memref<16384xi32, #tpu.memory_space<hbm>> -> memref<1024xi32, #tpu.memory_space<hbm>>
    %dma_wait3A_26 = tpu.memref_slice %arg3[%mul3A_0] : memref<16384xi32, #tpu.memory_space<hbm>> -> memref<1024xi32, #tpu.memory_space<hbm>>
    tpu.wait_dma2 semaphore(%arg9 : memref<!tpu.dma_semaphore, #tpu.memory_space<semaphore_mem>>) src(%dma_wait3A_26 : memref<1024xi32, #tpu.memory_space<hbm>>) dst(%arg6 : memref<1024xi32, #tpu.memory_space<vmem>>)
    %parallel_loop3A = arith.constant 0 : i32
    %parallel_loop3A_27 = arith.constant 64 : i32
    %parallel_loop3A_28 = arith.constant 1 : i32
    scf.for %parallel_loop3A_29 = %parallel_loop3A to %parallel_loop3A_27 step %parallel_loop3A_28  : i32 {
      %parallel_loop3A_30 = arith.constant 16 : i32
      %parallel_loop3A_31 = arith.muli %parallel_loop3A_29, %parallel_loop3A_30 : i32
      %parallel_loop3A_32 = arith.index_cast %parallel_loop3A_31 : i32 to index
      %parallel_loop3A_33 = tpu.vector_load %arg6[%parallel_loop3A_32] {strides = array<i32>} : memref<1024xi32, #tpu.memory_space<vmem>>, vector<16xi32>,
      %parallel_loop3A_34 = vector.shape_cast %parallel_loop3A_33 : vector<16xi32> to vector<16xi32>
      %parallel_loop3A_35 = vector.shape_cast %parallel_loop3A_34 : vector<16xi32> to vector<16x1xi32>
      %parallel_loop3A_36 = vector.shape_cast %parallel_loop3A_35 : vector<16x1xi32> to vector<16xi32>
      %parallel_loop3A_37 = tpu.dynamic_gather %div3A_24[%parallel_loop3A_36] in [0] : vector<16xf32>, vector<16xi32> -> vector<16xf32>
      %parallel_loop3A_38 = arith.constant 16 : i32
      %parallel_loop3A_39 = arith.muli %parallel_loop3A_29, %parallel_loop3A_38 : i32
      %parallel_loop3A_40 = arith.index_cast %parallel_loop3A_39 : i32 to index
      %parallel_loop3A_41 = tpu.vector_load %arg7[%parallel_loop3A_40] {strides = array<i32>} : memref<1024xf32, #tpu.memory_space<vmem>>, vector<16xf32>,
      %parallel_loop3A_42 = vector.shape_cast %parallel_loop3A_41 : vector<16xf32> to vector<16xf32>
      %parallel_loop3A_43 = vector.shape_cast %parallel_loop3A_37 : vector<16xf32> to vector<16xf32>
      tpu.vector_store %arg7[%parallel_loop3A_40], %parallel_loop3A_43 {strides = array<i32>} : memref<1024xf32, #tpu.memory_space<vmem>>, vector<16xf32>,
    } {sc.loop_unroll_factor = 4 : i64, sc.parallel_access}
    "tpu.region"() ({
      %run_scoped3A = tpu.sem_alloc : memref<!tpu.dma_semaphore, #tpu.memory_space<semaphore_mem>>
      %dma_start3A_29 = tpu.memref_slice %arg4[%mul3A_0] : memref<16384xf32, #tpu.memory_space<hbm>> -> memref<1024xf32, #tpu.memory_space<hbm>>
      %dma_start3A_30 = tpu.memref_slice %arg4[%mul3A_0] : memref<16384xf32, #tpu.memory_space<hbm>> -> memref<1024xf32, #tpu.memory_space<hbm>>
      tpu.enqueue_dma source(%arg7 : memref<1024xf32, #tpu.memory_space<vmem>>) target(%dma_start3A_30 : memref<1024xf32, #tpu.memory_space<hbm>>) target_semaphore(%run_scoped3A : memref<!tpu.dma_semaphore, #tpu.memory_space<semaphore_mem>>)
      %dma_wait3A_31 = tpu.memref_slice %arg4[%mul3A_0] : memref<16384xf32, #tpu.memory_space<hbm>> -> memref<1024xf32, #tpu.memory_space<hbm>>
      %dma_wait3A_32 = tpu.memref_slice %arg4[%mul3A_0] : memref<16384xf32, #tpu.memory_space<hbm>> -> memref<1024xf32, #tpu.memory_space<hbm>>
      tpu.wait_dma2 semaphore(%run_scoped3A : memref<!tpu.dma_semaphore, #tpu.memory_space<semaphore_mem>>) src(%arg7 : memref<1024xf32, #tpu.memory_space<vmem>>) dst(%dma_wait3A_32 : memref<1024xf32, #tpu.memory_space<hbm>>)
      tpu.yield
    }) : () -> ()
    return
  }
}

</mosaic_0001>

<sc_bundles>
// kernel: kernel.3.cloned.1.call-start
scs
__scs_entry_jumppad:
0x0: {  	(pc) =	sbr.rel $0x88, $3  }
0x1: {  	(tag) =	ssettag $0x0;
	lr =	simm.s32 $0x1  }
0x2: {  	[smem:$0x3F9F] =	sst lr;
	_ =	strace $0xD0000000  }
0x3: {  	_ = 	snop  }
0x4: {  	_ = 	snop  }
0x5: {  	_ = 	snop  }
0x6: {  	_ = 	snop  }
0x7: {  	_ = 	snop  }
__scs_overlays_trampoline_lowered:
0x8: {  	[smem:$0x3FAE] =	sst s0  }
0x9: {  	[smem:$0x3FAF] =	sst s1  }
0xa: {  	[smem:$0x3FB0] =	sst s2  }
0xb: {  	[smem:$0x3FB1] =	sst s3  }
0xc: {  	[smem:$0x3FB2] =	sst s4  }
0xd: {  	[smem:$0x3FB3] =	sst s5  }
0xe: {  	[smem:$0x3FB4] =	sst s6  }
0xf: {  	[smem:$0x3FB5] =	sst s7  }
0x10: {  	[smem:$0x3FB6] =	sst s8  }
0x11: {  	[smem:$0x3FB7] =	sst s9;
	s0 =	simm.s32 @!p0 $0x0  }
0x12: {  	s1 =	sld [smem:$0x3F9D];
	s0 =	simm.s32 @p0 $0x1  }
0x13: {  	[smem:$0x3FB8] =	sst s0;
	s0 =	simm.s32 @!p1 $0x0  }
0x14: {  	s2 =	sld [smem:$0x3F9C];
	s0 =	simm.s32 @p1 $0x1  }
0x15: {  	[smem:$0x3FB9] =	sst s0;
	s0 =	simm.s32 @!p2 $0x0  }
0x16: {  	s3 =	sld [smem:$0x3FDB];
	s0 =	simm.s32 @p2 $0x1  }
0x17: {  	s4 =	simm.s32 $0x1BF5;
	[smem:$0x3FBB] =	sst s0  }
0x18: {  	s0 =	sld [smem:$0x3F9E];
	_ =	swait.ge [sflag:s4], $0x0  }
0x19: {  	s7 =	sld [smem:$0x3F9F]  }
0x1a: {  	s8 =	sadd.s32 $0xFFFFE003, lr  }
0x1b: {  	s9 =	sadd.s32 $0xFFFFFEF7, lr;
	s5 =	simm.s32 $0xFFFFFFFF;
	p2 =	slt.u32 s8, $0xFFFFF086  }
0x1c: {  	p1 =	slt.u32 s9, $0xF7A;
	s5 =	simm.s32 @!p2 $0x0  }
0x1d: {  	s5 =	simm.s32 @p1 $0x1;
	p0 =	seq.s32 s7, s2  }
0x1e: {  	s7 =	smul.u32 @!p0 $0xF7A, s2;
	p2 =	seq.s32 @!p0 s5, $0x0  }
0x1f: {  	s9 =	smul.u32 $0xF7A, s1;
	s8 =	simm.s32 @!p0 $0x1BF5;
	p2 =	por !p2, p0  }
0x20: {  	[sflag:s8] =	ssyncset.s32 @!p0 $0xFFFFF086;
	s6 =	sadd.s32 @!p0 s3, s7;
	s7 =	simm.s32 @!p0 $0x108  }
0x21: {  	s3 =	sadd.s32 s3, s9;
	s6 =	sadd.s32 @!p0 $0x88, s6;
	s7 =	simm.s32 @p2 $0x1082  }
0x22: {  	[simem:s7], [sflag:s8] =	dma.local @!p0 [hbm:s6], $0xF7A  }
0x23: {  	s9 =	sor.u32 $0xD0000000, s2;
	s6 =	simm.s32 $0x108;
	_ =	swait.ge @!p0 [sflag:s8], $0x0  }
0x24: {  	s3 =	sadd.s32 $0x88, s3;
	s6 =	simm.s32 @!p1 $0x1082;
	[sflag:s4] =	ssyncset.s32 $0xFFFFF086  }
0x25: {  	[simem:s6], [sflag:s4] =	dma.local [hbm:s3], $0xF7A  }
0x26: {  	[smem:$0x3F9F] =	sst s1;
	(tag) =	ssettag s2;
	_ =	strace s9  }
0x27: {  	s1 =	sld [smem:$0x3FAF]  }
0x28: {  	s2 =	sld [smem:$0x3FB0]  }
0x29: {  	s4 =	sld [smem:$0x3FB2]  }
0x2a: {  	p0 =	seq.s32 s5, $0x0;
	s5 =	sld [smem:$0x3FB3]  }
0x2b: {  	s6 =	sld [smem:$0x3FB4]  }
0x2c: {  	s7 =	sld [smem:$0x3FB5]  }
0x2d: {  	s3 =	simm.s32 $0x108;
	s8 =	sld [smem:$0x3FB6]  }
0x2e: {  	s3 =	simm.s32 @!p0 $0x1082;
	s9 =	sld [smem:$0x3FB7]  }
0x2f: {  	lr =	sadd.s32 s0, s3;
	s0 =	sld [smem:$0x3FAE]  }
0x30: {  	s3 =	sld [smem:$0x3FB1]  }
0x31: {  	[smem:$0x3FBA] =	sst s10  }
0x32: {  	s10 =	sld [smem:$0x3FB8];
	_ =	sdelay $0x3  }
0x33: {  	p0 =	seq.s32 s10, $0x1;
	s10 =	sld [smem:$0x3FBA];
	_ =	sdelay $0x3  }
0x34: {  	[smem:$0x3FBA] =	sst s10  }
0x35: {  	s10 =	sld [smem:$0x3FB9];
	_ =	sdelay $0x3  }
0x36: {  	p1 =	seq.s32 s10, $0x1;
	s10 =	sld [smem:$0x3FBA];
	_ =	sdelay $0x3  }
0x37: {  	[smem:$0x3FBA] =	sst s10  }
0x38: {  	s10 =	sld [smem:$0x3FBB]  }
0x39: {  	_ = 	snop;
	(pc) =	sbr.ind lr, $3  }
0x3a: {  	_ = 	snop  }
0x3b: {  	_ = 	snop  }
0x3c: {  	p2 =	seq.s32 s10, $0x1;
	s10 =	sld [smem:$0x3FBA]  }
0x3d: {  	_ =	shalt  }
0x3e: {  	_ =	shalt  }
0x3f: {  	_ =	shalt  }
0x40: {  	_ =	shalt  }
0x41: {  	_ =	shalt  }
0x42: {  	_ =	shalt  }
0x43: {  	_ =	shalt  }
0x44: {  	_ =	shalt  }
0x45: {  	_ =	shalt  }
0x46: {  	_ =	shalt  }
0x47: {  	_ =	shalt  }
0x48: {  	_ =	shalt  }
0x49: {  	_ =	shalt  }
0x4a: {  	_ =	shalt  }
0x4b: {  	_ =	shalt  }
0x4c: {  	_ =	shalt  }
0x4d: {  	_ =	shalt  }
0x4e: {  	_ =	shalt  }
0x4f: {  	_ =	shalt  }
0x50: {  	_ =	shalt  }
0x51: {  	_ =	shalt  }
0x52: {  	_ =	shalt  }
0x53: {  	_ =	shalt  }
0x54: {  	_ =	shalt  }
0x55: {  	_ =	shalt  }
0x56: {  	_ =	shalt  }
0x57: {  	_ =	shalt  }
0x58: {  	_ =	shalt  }
0x59: {  	_ =	shalt  }
0x5a: {  	_ =	shalt  }
0x5b: {  	_ =	shalt  }
0x5c: {  	_ =	shalt  }
0x5d: {  	_ =	shalt  }
0x5e: {  	_ =	shalt  }
0x5f: {  	_ =	shalt  }
0x60: {  	_ =	shalt  }
0x61: {  	_ =	shalt  }
0x62: {  	_ =	shalt  }
0x63: {  	_ =	shalt  }
0x64: {  	_ =	shalt  }
0x65: {  	_ =	shalt  }
0x66: {  	_ =	shalt  }
0x67: {  	_ =	shalt  }
0x68: {  	_ =	shalt  }
0x69: {  	_ =	shalt  }
0x6a: {  	_ =	shalt  }
0x6b: {  	_ =	shalt  }
0x6c: {  	_ =	shalt  }
0x6d: {  	_ =	shalt  }
0x6e: {  	_ =	shalt  }
0x6f: {  	_ =	shalt  }
0x70: {  	_ =	shalt  }
0x71: {  	_ =	shalt  }
0x72: {  	_ =	shalt  }
0x73: {  	_ =	shalt  }
0x74: {  	_ =	shalt  }
0x75: {  	_ =	shalt  }
0x76: {  	_ =	shalt  }
0x77: {  	_ =	shalt  }
0x78: {  	_ =	shalt  }
0x79: {  	_ =	shalt  }
0x7a: {  	_ =	shalt  }
0x7b: {  	_ =	shalt  }
0x7c: {  	_ =	shalt  }
0x7d: {  	_ =	shalt  }
0x7e: {  	_ =	shalt  }
0x7f: {  	_ =	shalt  }
0x80: {  	_ =	shalt  }
0x81: {  	_ =	shalt  }
0x82: {  	_ =	shalt  }
0x83: {  	_ =	shalt  }
0x84: {  	_ =	shalt  }
0x85: {  	_ =	shalt  }
0x86: {  	_ =	shalt  }
0x87: {  	_ =	shalt  }
.Lfunc_end0:
.L_simem_size_0:
called_computation_lowered:
.L_overlay_start_0:
0x88: {  	s0 =	sld [smem:$0x3FD9]  }
0x89: {  	s1 =	sld [smem:$0x3FFE];
	_ =	sdelay $0x3  }
0x8a: {  	s0 =	sadd.s32 s1, s0  }
0x8b: {  	[smem:$0x3FC6] =	sst s0  }
0x8c: {  	_ = 	snop  }
0x8d: {  	s0 =	sld [smem:$0x3FC9]  }
0x8e: {  	s17 =	sld [smem:$0x3FC8]  }
0x8f: {  	s2 =	sld [smem:$0x3FD0];
	(tm) =	ssettm $0x1  }
0x90: {  	s3 =	sld [smem:$0x3FFB];
	_ =	sdelay $0x3  }
0x91: {  	_ =	strace s3  }
0x92: {  	s3 =	sld [smem:$0x3FFC];
	_ =	sdelay $0x3  }
0x93: {  	_ =	strace s3  }
0x94: {  	s3 =	sld [smem:$0x3FFD];
	_ =	sdelay $0x3  }
0x95: {  	_ =	strace s3  }
0x96: {  	_ =	strace $0x8FFFFFFF  }
0x97: {  	s18 =	sld [smem:$0x3FDB];
	_ =	sdelay $0x1  }
0x98: {  	s4 =	simm.s32 $_scs_section_size  }
0x99: {  	s5 =	simm.s32 $_size__tile_overlayer_lowered;
	s6 =	simm.s32 $_tile_overlayer_lowered  }
0x9a: {  	s21 =	simm.s32 $0x1BFF;
	s20 =	sshll.u32 s6, $0x1;
	s3 =	sadd.s32 s4, s18  }
0x9b: {  	s7 =	simm.s32 $0x0;
	s19 =	sshll.u32 s5, $0x1;
	s5 =	sadd.s32 s20, s3  }
0x9c: {  	[timem:s7], [sflag:s21] =	dma.local [hbm:s5], s19  }
0x9d: {  	_ =	swait.ge [sflag:s21], s19  }
0x9e: {  	s4 =	ssub.s32 $0x0, s19;
	[sflag:s21] =	ssyncset.done $0x0  }
0x9f: {  	[sflag:s21] =	ssyncadd.s32 s4;
	_ =	sdelay $0x1  }
0xa0: {  	s22 =	simm.s32 $0x1B8B  }
0xa1: {  	_ =	swait.ge [sflag:s22], $0x1  }
0xa2: {  	[sflag:s22] =	ssyncset.done $0x0  }
0xa3: {  	s23 =	simm.s32 $0x1B8E;
	[sflag:s22] =	ssyncadd.s32 $0xFFFFFFFF  }
0xa4: {  	s24 =	simm.s32 $execute0_lowered;
	[smem:$0x3FD2] =	sst s23  }
0xa5: {  	s4 =	sshll.u32 s24, $0x1;
	_ =	strace $0x80000046;
	[dreg:$0x1] =	wrdreg $0xFFFFFFFF  }
0xa6: {  	s25 =	simm.s32 $_size_execute0_lowered;
	s3 =	sadd.s32 s3, s4;
	[dreg:$0x0] =	wrdreg $0x0  }
0xa7: {  	s4 =	sshll.u32 s25, $0x1;
	[dreg:$0x2] =	wrdreg s3  }
0xa8: {  	[dreg:$0x3] =	wrdreg s4  }
0xa9: {  	[dreg:$0x4] =	wrdreg $0xC0  }
0xaa: {  	_ =	task [dreg:s7], $0x5FFFF  }
0xab: {  	[dreg:$0x1] =	wrdreg $0xFFFFFFFF  }
0xac: {  	[dreg:$0x0] =	wrdreg $0x60  }
0xad: {  	[dreg:$0x2] =	wrdreg s0  }
0xae: {  	[dreg:$0x3] =	wrdreg s17  }
0xaf: {  	[dreg:$0x4] =	wrdreg s2  }
0xb0: {  	[dreg:$0x5] =	wrdreg $0x9  }
0xb1: {  	_ =	task.clear_ibuf [dreg:s7], $0x6FFFF;
	_ =	strace $0x90000046  }
0xb2: {  	s26 =	simm.s32 $0x9;
	_ =	strace $0x80000048  }
0xb3: {  	_ =	swait.ge [sflag:s26], $0x1  }
0xb4: {  	[sflag:s26] =	ssyncadd.s32 $0xFFFFFFFF  }
0xb5: {  	_ =	strace $0x90000048  }
0xb6: {  	_ =	sfence  }
0xb7: {  	s28 =	sld [smem:$0x0];
	_ =	sdelay $0x1  }
0xb8: {  	s29 =	srdreg.scid  }
0xb9: {  	s30 =	sshll.u32 s29, $0xD;
	s31 =	sshrl.u32 s29, $0x2  }
0xba: {  	s1 =	sand.u32 $0x1, s29;
	s2 =	sand.u32 $0x4000, s30;
	s0 =	sadd.s32 s31, s28  }
0xbb: {  	s1 =	sor.u32 s2, s1;
	s0 =	sshll.u32 s0, $0x11  }
0xbc: {  	s0 =	sor.u32 s0, s1  }
0xbd: {  	s0 =	sadd.s32 $0x8F2B, s0  }
0xbe: {  	[sflag:s0] =	ssyncadd.remote.s32 $0x1  }
0xbf: {  	_ =	sfence.sel $0xFFFF  }
0xc0: {  	[dreg:$0x0] =	wrdreg $0xFFFFFFFF;
	(pc) =	sbr.abs _section_cstart, $3  }
0xc1: {  	[dreg:$0x1] =	wrdreg $0xFFFFFFFF  }
0xc2: {  	_ =	task.clear_ibuf [dreg:s7], $0x2FFFF;
	_ =	strace $0x9FFFFFFF  }
0xc3: {  	(tm) =	ssettm $0x7FFFFFFF  }
tec
execute0_lowered:
.L_overlay_start_1:
0x0: {  	(tag) =	ssettag $0x1  }
0x1: {  	s4 =	rddreg [dreg:$0x0]  }
0x2: {  	s5 =	rddreg [dreg:$0x1]  }
0x3: {  	s2 =	rddreg [dreg:$0x2]  }
0x4: {  	s0 =	rddreg [dreg:$0x3];
	s6 =	simm.s32 $0x0;
	s1 =	stileid.u32;
	v0 =	vimm.f32 $-1.500000000e+00;
	vm0 =	vcmask $0x300  }
0x5: {  	vm14 =	vcmask $0x704;
	[smem:$0x7FF] =	sst s6;
	s3 =	sshll.u32 s1, $0x7;
	v0 =	vsel vm0, $0x80000000, v0  }
0x6: {  	s7 =	simm.s32 $0x80;
	vm15 =	vcmask $0xB08;
	_ =	strace $0x80000047;
	s5 =	sadd.s32 s5, s3;
	v0 =	vsel vm14, $0xBDCCCCCD, v0  }
0x7: {  	vm4 =	vcmask $0xF0C;
	[tilespmem:s7], [sflag:$0x2] =	stream.linear.gather [hbm4b:s5+s6], $0x400, $0x38;
	v0 =	vsel vm15, $0xBE4CCCCD, v0;
	[tilespmem:$0x880] =	vst v63  }
0x8: {  	vm5 =	vcmask $0x1310;
	s29 =	simm.s32 $0x1;
	v0 =	vsel vm4, $0xBE99999A, v0  }
0x9: {  	vm6 =	vcmask $0x1714;
	[tilespmem:s6], [sflag:$0x1] =	stream.linear.gather [hbm4b:s4+s6], $0x1, $0x38;
	v0 =	vsel vm5, $0xBECCCCCD, v0;
	[tilespmem:$0x880] =	vst v63  }
0xa: {  	vm7 =	vcmask $0x1B18;
	_ =	swait.ge [sflag:s29], $0x1;
	v0 =	vsel vm6, $0xBF000000, v0  }
0xb: {  	vm8 =	vcmask $0x1F1C;
	[sflag:s29] =	ssyncset.done $0x0;
	v0 =	vsel vm7, $0xBF19999A, v0  }
0xc: {  	vm9 =	vcmask $0x2320;
	[sflag:s29] =	ssyncadd.s32 $0xFFFFFFFF;
	v0 =	vsel vm8, $0xBF333333, v0  }
0xd: {  	vm10 =	vcmask $0x2724;
	v1 =	vld [tilespmem:$0x0];
	v0 =	vsel vm9, $0xBF4CCCCD, v0  }
0xe: {  	vm11 =	vcmask $0x2B28;
	v0 =	vsel vm10, $0xBF666667, v0  }
0xf: {  	vm12 =	vcmask $0x2F2C;
	v0 =	vsel vm11, $0xBF800000, v0  }
0x10: {  	vm13 =	vcmask $0x3330;
	v0 =	vsel vm12, $0xBF8CCCCD, v0  }
0x11: {  	v2 =	vimm.s32 $0x0;
	vm14 =	vcmask $0x3734;
	v0 =	vsel vm13, $0xBF99999A, v0  }
0x12: {  	vm15 =	vcmask $0x3B38;
	v1 =	vperm.xlane v1, v2;
	v0 =	vsel vm14, $0xBFA66667, v0  }
0x13: {  	v0 =	vsel vm15, $0xBFB33333, v0  }
0x14: {  	v0 =	vadd.f32 v0, v1;
	_ =	sdelay $0x1  }
0x15: {  	v0 =	vmul.f32 $-5.000000000e+01, v0;
	_ =	sdelay $0x1  }
0x16: {  	v0 =	vadd.f32 $0.0e+00, v0;
	_ =	sdelay $0x1  }
0x17: {  	v0 =	vmul.f32 $1.442695020e+00, v0;
	_ =	sdelay $0x1  }
0x18: {  	(erf) = vpow2.f32 v0;
	_ =	sdelay $0x8  }
0x19: {  	v0 =	vpop (erf)  }
0x1a: {  	v0 =	vadd.f32 $1.000000000e+00, v0;
	_ =	sdelay $0x1  }
0x1b: {  	(erf) = vrcp.f32 v0;
	_ =	sdelay $0x8  }
0x1c: {  	s30 =	simm.s32 $0x2;
	v0 =	vpop (erf)  }
0x1d: {  	_ =	swait.ge [sflag:s30], $0x400  }
0x1e: {  	[sflag:s30] =	ssyncset.done $0x0  }
0x1f: {  	s31 =	simm.s32 $0xA0;
	[sflag:s30] =	ssyncadd.s32 $0xFFFFFC00  }
0x20: {  	v1 =	vld [tilespmem:s31+$0xFFFFFFE0]  }
0x21: {  	v2 =	vld [tilespmem:s31+$0x10]  }
0x22: {  	v4 =	vld [tilespmem:s31+$0x0];
	_ =	sdelay $0x1  }
0x23: {  	v5 =	vld [tilespmem:s31+$0xFFFFFFF0]  }
0x24: {  	s5 =	simm.s32 $0xE0;
	v6 =	vperm.xlane v0, v1  }
0x25: {  	s4 =	simm.s32 $0x4A0;
	v3 =	vld [tilespmem:s5+$0xFFFFFFE0];
	v7 =	vperm.xlane v0, v2  }
0x26: {  	v1 =	vld [tilespmem:s5+$0x10];
	[tilespmem:s4+$0xFFFFFFE0] =	vst v6;
	v6 =	vperm.xlane v0, v4  }
0x27: {  	v2 =	vld [tilespmem:s5+$0x0];
	[tilespmem:s4+$0x10] =	vst v7  }
0x28: {  	s6 =	simm.s32 $0x4;
	v5 =	vperm.xlane v0, v5;
	v4 =	vld [tilespmem:s5+$0xFFFFFFF0];
	[tilespmem:s4+$0x0] =	vst v6  }
.LBB2_1:
0x29: {  	s6 =	sadd.s32 $0x4, s6  }
0x2a: {  	[tilespmem:s4+$0xFFFFFFF0] =	vst v5;
	s4 =	sadd.s32 $0x40, s4;
	p0 =	slt.u32 s6, $0x3C  }
.Ltmp0:
0x2b: {  	s5 =	sadd.s32 $0x40, s5;
	v5 =	vperm.xlane v0, v3;
	(pc) =	sbr.rel @p0 .LBB2_1-.Ltmp0, $4  }
0x2c: {  	v3 =	vld [tilespmem:s5+$0xFFFFFFE0];
	v6 =	vperm.xlane v0, v1  }
0x2d: {  	v1 =	vld [tilespmem:s5+$0x10];
	[tilespmem:s4+$0xFFFFFFE0] =	vst v5;
	v7 =	vperm.xlane v0, v2  }
0x2e: {  	v2 =	vld [tilespmem:s5+$0x0];
	v5 =	vperm.xlane v0, v4;
	[tilespmem:s4+$0x10] =	vst v6  }
0x2f: {  	v4 =	vld [tilespmem:s5+$0xFFFFFFF0];
	[tilespmem:s4+$0x0] =	vst v7  }
0x30: {  	_ = 	snop  }
0x31: {  	v3 =	vperm.xlane v0, v3  }
0x32: {  	[tilespmem:s4+$0xFFFFFFF0] =	vst v5;
	s28 =	sadd.s32 $0x40, s4;
	v1 =	vperm.xlane v0, v1  }
0x33: {  	[tilespmem:s28+$0xFFFFFFE0] =	vst v3;
	v2 =	vperm.xlane v0, v2  }
0x34: {  	v63 =	vperm.xlane v0, v4;
	[tilespmem:s28+$0x10] =	vst v1  }
0x35: {  	s2 =	sadd.s32 s2, s3;
	[tilespmem:s28+$0x0] =	vst v2  }
0x36: {  	s29 =	simm.s32 $0x0;
	s30 =	simm.s32 $0x480;
	s31 =	simm.s32 $0x3;
	[tilespmem:s28+$0xFFFFFFF0] =	vst v63  }
0x37: {  	[hbm4b:s2+s29] =	stream.linear.scatter [tilespmem:s30], [sflag:$0x3], $0x400, $0x38;
	[tilespmem:$0x880] =	vst v63  }
0x38: {  	_ =	swait.ge [sflag:s31], $0x400  }
0x39: {  	[sflag:s31] =	ssyncset.done $0x0  }
0x3a: {  	[sflag:s31] =	ssyncadd.s32 $0xFFFFFC00  }
0x3b: {  	_ =	sfence.sel $0x180000  }
0x3c: {  	[bflag:$0x0] =	sbarrier.arrive $0xFFFF  }
0x3d: {  	p0 =	sne.s32 s1, $0x0;
	_ =	strace $0x90000047  }
0x3e: {  	s0 =	sadd.s32 @!p0 $0x100000, s0;
	[bflag:$0x2] =	sbarrier.arrive $0xFFFF  }
0x3f: {  	[sflag:s0] =	ssyncadd.tile.s32 @!p0 $0x1;
	_ =	shalt  }
.Lfunc_end2:
_tile_overlayer_lowered:
.L_overlay_start_2:
0x40: {  	(tag) =	ssettag $0x2  }
0x41: {  	s0 =	rddreg [dreg:$0x0];
	s2 =	stileid.u32  }
0x42: {  	s1 =	rddreg [dreg:$0x1];
	p0 =	sne.s32 s2, $0x0  }
0x43: {  	s3 =	rddreg [dreg:$0x2];
	[bflag:$0x3] =	sbarrier.arrive $0xFFFF;
	s2 =	simm.s32 @!p0 $0x1C03  }
0x44: {  	[timem:s3], [sflag:s2] =	dma.local @!p0 [hbm:s0], s1  }
0x45: {  	s0 =	simm.s32 @!p0 $0x3  }
0x46: {  	_ =	swait.ge @!p0 [sflag:s0], s1  }
0x47: {  	s1 =	ssub.s32 @!p0 $0x0, s1;
	[sflag:s0] =	ssyncset.done @!p0 $0x0  }
0x48: {  	[sflag:s0] =	ssyncadd.s32 @!p0 s1  }
0x49: {  	[bflag:$0x3] =	sbarrier.arrive $0xFFFF  }
0x4a: {  	_ =	shalt  }

</sc_bundles>
